<compile_context>
chip_gen: v7x
topology: tpu7x:2x2x1
jax: 0.10.2.dev20260603
libtpu: 0.0.44.dev20260713+nightly
codegen_flags: <defaults>
</compile_context>

<pallas_src>
import functools

import jax
import jax.numpy as jnp
from jax import lax
from jax.experimental import pallas as pl
from jax.experimental.pallas import tpu as pltpu
from jax.experimental.pallas import tpu_sc as plsc

B, S = 8, 576
N = B * S
IN_D = 768
HID = 256
OUT_D = 768

TOK_BLK = 512
CHUNK0 = 2048
CHUNK1 = N - CHUNK0
BLKS0 = CHUNK0 // TOK_BLK
BLKS1 = CHUNK1 // TOK_BLK

_NC = 2
_NS = 16
_NW = _NC * _NS
_ROWS_W0 = CHUNK0 // _NW
_ROWS_W1 = CHUNK1 // _NW


def _enc_chunk0_kernel(x_ref, w_ref, b_ref, cb_ref, dw_ref, db_ref,
                       idx_ref, table_ref):
    ht = lax.dot_general(w_ref[...], x_ref[...],
                         (((1,), (1,)), ((), ())),
                         preferred_element_type=jnp.float32)
    ht = ht + jnp.transpose(jnp.reshape(b_ref[...], (1, HID)))
    m = jnp.max(ht, axis=0, keepdims=True)
    ii = lax.broadcasted_iota(jnp.int32, ht.shape, 0)
    idx = jnp.min(jnp.where(ht == m, ii, HID), axis=0)
    idx_ref[...] = idx.astype(jnp.int32)

    @pl.when(pl.program_id(0) == 0)
    def _():
        t = lax.dot_general(cb_ref[...], dw_ref[...],
                            (((1,), (1,)), ((), ())),
                            preferred_element_type=jnp.float32)
        table_ref[...] = (t + db_ref[...][None, :])[:, None, :]


def _enc_chunk_kernel(x_ref, w_ref, b_ref, idx_ref):
    ht = lax.dot_general(w_ref[...], x_ref[...],
                         (((1,), (1,)), ((), ())),
                         preferred_element_type=jnp.float32)
    ht = ht + jnp.transpose(jnp.reshape(b_ref[...], (1, HID)))
    m = jnp.max(ht, axis=0, keepdims=True)
    ii = lax.broadcasted_iota(jnp.int32, ht.shape, 0)
    idx = jnp.min(jnp.where(ht == m, ii, HID), axis=0)
    idx_ref[...] = idx.astype(jnp.int32)


def _enc_chunk0(xf, enc_w, enc_b, codebook, dec_w, dec_b):
    return pl.pallas_call(
        _enc_chunk0_kernel,
        grid=(BLKS0,),
        in_specs=[
            pl.BlockSpec((TOK_BLK, IN_D), lambda i: (i, 0)),
            pl.BlockSpec((HID, IN_D), lambda i: (0, 0)),
            pl.BlockSpec((HID,), lambda i: (0,)),
            pl.BlockSpec((HID, HID), lambda i: (0, 0)),
            pl.BlockSpec((OUT_D, HID), lambda i: (0, 0)),
            pl.BlockSpec((OUT_D,), lambda i: (0,)),
        ],
        out_specs=[
            pl.BlockSpec((TOK_BLK,), lambda i: (i,)),
            pl.BlockSpec((HID, 1, OUT_D), lambda i: (0, 0, 0)),
        ],
        out_shape=[
            jax.ShapeDtypeStruct((CHUNK0,), jnp.int32),
            jax.ShapeDtypeStruct((HID, 1, OUT_D), jnp.float32),
        ],
    )(xf, enc_w, enc_b, codebook, dec_w, dec_b)


def _enc_chunk1(xf, enc_w, enc_b):
    return pl.pallas_call(
        _enc_chunk_kernel,
        grid=(BLKS1,),
        in_specs=[
            pl.BlockSpec((TOK_BLK, IN_D), lambda i: (BLKS0 + i, 0)),
            pl.BlockSpec((HID, IN_D), lambda i: (0, 0)),
            pl.BlockSpec((HID,), lambda i: (0,)),
        ],
        out_specs=pl.BlockSpec((TOK_BLK,), lambda i: (i,)),
        out_shape=jax.ShapeDtypeStruct((CHUNK1,), jnp.int32),
    )(xf, enc_w, enc_b)


@functools.cache
def _make_sc_head():
    @functools.partial(
        pl.kernel,
        mesh=plsc.VectorSubcoreMesh(core_axis_name="c", subcore_axis_name="s"),
        out_type=jax.ShapeDtypeStruct((N, 1, OUT_D), jnp.float32),
        scratch_types=[
            pltpu.VMEM((_ROWS_W0,), jnp.int32),
            pltpu.VMEM((_ROWS_W0, 1, OUT_D), jnp.float32),
            pltpu.SemaphoreType.DMA,
        ],
    )
    def _sc_head(table_hbm, idx_hbm, out_hbm, idx_v, rows_v, sem):
        wid = lax.axis_index("s") * _NC + lax.axis_index("c")
        base = wid * _ROWS_W0
        pltpu.sync_copy(idx_hbm.at[pl.ds(base, _ROWS_W0)], idx_v)
        pltpu.async_copy(table_hbm.at[idx_v], rows_v, sem).wait()
        pltpu.sync_copy(rows_v, out_hbm.at[pl.ds(base, _ROWS_W0)])

    return _sc_head


@functools.cache
def _make_sc_tail():
    @functools.partial(
        pl.kernel,
        mesh=plsc.VectorSubcoreMesh(core_axis_name="c", subcore_axis_name="s"),
        out_type=(),
        scratch_types=[
            pltpu.VMEM((_ROWS_W1,), jnp.int32),
            pltpu.VMEM((_ROWS_W1, 1, OUT_D), jnp.float32),
            pltpu.SemaphoreType.DMA,
        ],
    )
    def _sc_tail(table_hbm, idx_hbm, out_hbm, idx_v, rows_v, sem):
        wid = lax.axis_index("s") * _NC + lax.axis_index("c")
        base = wid * _ROWS_W1
        pltpu.sync_copy(idx_hbm.at[pl.ds(base, _ROWS_W1)], idx_v)
        pltpu.async_copy(table_hbm.at[idx_v], rows_v, sem).wait()
        pltpu.sync_copy(rows_v, out_hbm.at[pl.ds(CHUNK0 + base, _ROWS_W1)])

    return _sc_tail


def kernel(x, enc_w, enc_b, dec_w, dec_b, codebook):
    xf = x.reshape(N, IN_D)
    idx0, table = _enc_chunk0(xf, enc_w, enc_b, codebook, dec_w, dec_b)
    idx1 = _enc_chunk1(xf, enc_w, enc_b)
    out0 = _make_sc_head()(table, idx0)
    out_ref = jax.new_ref(out0)
    _make_sc_tail()(table, idx1, out_ref)
    return out_ref[...].reshape(B, S, 1, OUT_D)

# --- scband reference (transcript-rebuilt; emitter-appended) ---
"""Pipeline reference for scband-transformer-40132174414130 (READ-ONLY COPY).

The authoritative reference and input builder live on the scoring server;
editing this copy changes nothing except your own understanding.
"""

import jax, jax.numpy as jnp
import numpy as np

CODEBOOK_SIZE = 1024
INPUT_DIM = 768
HIDDEN_DIM = 256
OUTPUT_DIM = 768
B, S = 8, 576


def setup_inputs(seed: int = 0) -> dict:
    key = jax.random.key(seed)
    ks = jax.random.split(key, 6)
    x = jax.random.normal(ks[0], (B, S, INPUT_DIM), dtype=jnp.float32)
    enc_w = jax.random.normal(ks[1], (HIDDEN_DIM, INPUT_DIM), dtype=jnp.float32) * (1.0 / np.sqrt(INPUT_DIM))
    enc_b = jax.random.normal(ks[2], (HIDDEN_DIM,), dtype=jnp.float32) * 0.01
    dec_w = jax.random.normal(ks[3], (OUTPUT_DIM, HIDDEN_DIM), dtype=jnp.float32) * (1.0 / np.sqrt(HIDDEN_DIM))
    dec_b = jax.random.normal(ks[4], (OUTPUT_DIM,), dtype=jnp.float32) * 0.01
    codebook = jax.random.normal(ks[5], (CODEBOOK_SIZE, HIDDEN_DIM), dtype=jnp.float32)
    return {"x": x, "enc_w": enc_w, "enc_b": enc_b, "dec_w": dec_w, "dec_b": dec_b, "codebook": codebook}


def reference(x, enc_w, enc_b, dec_w, dec_b, codebook):
    # encoder: Linear(input_dim, hidden_dim)
    h = jnp.matmul(x, enc_w.T) + enc_b  # [B, S, HIDDEN_DIM]
    # argmax over last dim, clamp to codebook range, unsqueeze(-1)
    idx = jnp.clip(jnp.argmax(h, axis=-1), 0, CODEBOOK_SIZE - 1)  # [B, S]
    idx = idx[..., None]  # [B, S, 1]
    # embedding lookup -> [B, S, 1, HIDDEN_DIM]
    e = jnp.take(codebook, idx, axis=0)
    # squeeze(-1) is a no-op since last dim == HIDDEN_DIM != 1 (matches torch semantics)
    # decoder: Linear(hidden_dim, output_dim) -> [B, S, 1, OUTPUT_DIM]
    out = jnp.matmul(e, dec_w.T) + dec_b
    return out

if __name__ == "__main__":
    import jax
    _d = setup_inputs()
    print(jax.jit(kernel)(*tuple(_d.values())))

</pallas_src>

<mosaic_0001>
#map = affine_map<(d0, d1) -> (0, 0, 0)>
#map1 = affine_map<(d0, d1) -> (0)>
module attributes {stable_mosaic.version = 14 : i64} {
  func.func @new_body(%arg0: i32, %arg1: i32, %arg2: memref<256x1x768xf32, #tpu.memory_space<hbm>>, %arg3: memref<2560xi32, #tpu.memory_space<hbm>>, %arg4: memref<4608x1x768xf32, #tpu.memory_space<hbm>>, %arg5: memref<4608x1x768xf32, #tpu.memory_space<hbm>>, %arg6: memref<80xi32, #tpu.memory_space<vmem>>, %arg7: memref<80x1x768xf32, #tpu.memory_space<vmem>>, %arg8: memref<!tpu.dma_semaphore, #tpu.memory_space<semaphore_mem>>) attributes {dimension_semantics = [#tpu.dimension_semantics<core_parallel>, #tpu.dimension_semantics<subcore_parallel>], iteration_bounds = array<i64: 2, 16>, scalar_prefetch = 0 : i64, scratch_operands = 3 : i64, tpu.core_type = #tpu.core_type<sc_vector_subcore>, window_params = [{transform_indices = #map}, {transform_indices = #map1}, {transform_indices = #map}, {transform_indices = #map}]} {
    %mul3A = arith.constant 2 : i32
    %mul3A_0 = arith.muli %arg1, %mul3A : i32
    %add3A = arith.addi %mul3A_0, %arg0 : i32
    %mul3A_1 = arith.constant 80 : i32
    %mul3A_2 = arith.muli %add3A, %mul3A_1 : i32
    "tpu.region"() ({
      %run_scoped3A = tpu.sem_alloc : memref<!tpu.dma_semaphore, #tpu.memory_space<semaphore_mem>>
      %dma_start3A_11 = tpu.memref_slice %arg3[%mul3A_2] : memref<2560xi32, #tpu.memory_space<hbm>> -> memref<80xi32, #tpu.memory_space<hbm>>
      %dma_start3A_12 = tpu.memref_slice %arg3[%mul3A_2] : memref<2560xi32, #tpu.memory_space<hbm>> -> memref<80xi32, #tpu.memory_space<hbm>>
      tpu.enqueue_dma source(%dma_start3A_12 : memref<80xi32, #tpu.memory_space<hbm>>) target(%arg6 : memref<80xi32, #tpu.memory_space<vmem>>) target_semaphore(%run_scoped3A : memref<!tpu.dma_semaphore, #tpu.memory_space<semaphore_mem>>)
      %dma_wait3A_13 = tpu.memref_slice %arg3[%mul3A_2] : memref<2560xi32, #tpu.memory_space<hbm>> -> memref<80xi32, #tpu.memory_space<hbm>>
      %dma_wait3A_14 = tpu.memref_slice %arg3[%mul3A_2] : memref<2560xi32, #tpu.memory_space<hbm>> -> memref<80xi32, #tpu.memory_space<hbm>>
      tpu.wait_dma2 semaphore(%run_scoped3A : memref<!tpu.dma_semaphore, #tpu.memory_space<semaphore_mem>>) src(%dma_wait3A_14 : memref<80xi32, #tpu.memory_space<hbm>>) dst(%arg6 : memref<80xi32, #tpu.memory_space<vmem>>)
      tpu.yield
    }) : () -> ()
    %dma_start3A = arith.constant 0 : i32
    %dma_start3A_3 = arith.constant 0 : i32
    %dma_start3A_4 = arith.constant 0 : i32
    %dma_start3A_5 = tpu.memref_slice %arg2[%dma_start3A, %dma_start3A_3, %dma_start3A_4] : memref<256x1x768xf32, #tpu.memory_space<hbm>> -> memref<256x1x768xf32, #tpu.memory_space<hbm>>
    tpu.enqueue_indirect_dma source(%dma_start3A_5 : memref<256x1x768xf32, #tpu.memory_space<hbm>>) target(%arg7 : memref<80x1x768xf32, #tpu.memory_space<vmem>>) offsets(%arg6 : memref<80xi32, #tpu.memory_space<vmem>>) semaphore(%arg8 : memref<!tpu.dma_semaphore, #tpu.memory_space<semaphore_mem>>)
    %dma_wait3A = arith.constant 0 : i32
    %dma_wait3A_6 = arith.constant 0 : i32
    %dma_wait3A_7 = arith.constant 0 : i32
    %dma_wait3A_8 = tpu.memref_slice %arg2[%dma_wait3A, %dma_wait3A_6, %dma_wait3A_7] : memref<256x1x768xf32, #tpu.memory_space<hbm>> -> memref<256x1x768xf32, #tpu.memory_space<hbm>>
    tpu.wait_indirect_dma semaphore(%arg8 : memref<!tpu.dma_semaphore, #tpu.memory_space<semaphore_mem>>) src(%dma_wait3A_8 : memref<256x1x768xf32, #tpu.memory_space<hbm>>) dst(%arg7 : memref<80x1x768xf32, #tpu.memory_space<vmem>>)
    %add3A_9 = arith.constant 2048 : i32
    %add3A_10 = arith.addi %add3A_9, %mul3A_2 : i32
    "tpu.region"() ({
      %run_scoped3A = tpu.sem_alloc : memref<!tpu.dma_semaphore, #tpu.memory_space<semaphore_mem>>
      %dma_start3A_11 = arith.constant 0 : i32
      %dma_start3A_12 = arith.constant 0 : i32
      %dma_start3A_13 = tpu.memref_slice %arg4[%add3A_10, %dma_start3A_11, %dma_start3A_12] : memref<4608x1x768xf32, #tpu.memory_space<hbm>> -> memref<80x1x768xf32, #tpu.memory_space<hbm>>
      %dma_start3A_14 = arith.constant 0 : i32
      %dma_start3A_15 = arith.constant 0 : i32
      %dma_start3A_16 = tpu.memref_slice %arg4[%add3A_10, %dma_start3A_14, %dma_start3A_15] : memref<4608x1x768xf32, #tpu.memory_space<hbm>> -> memref<80x1x768xf32, #tpu.memory_space<hbm>>
      tpu.enqueue_dma source(%arg7 : memref<80x1x768xf32, #tpu.memory_space<vmem>>) target(%dma_start3A_16 : memref<80x1x768xf32, #tpu.memory_space<hbm>>) target_semaphore(%run_scoped3A : memref<!tpu.dma_semaphore, #tpu.memory_space<semaphore_mem>>)
      %dma_wait3A_17 = arith.constant 0 : i32
      %dma_wait3A_18 = arith.constant 0 : i32
      %dma_wait3A_19 = tpu.memref_slice %arg4[%add3A_10, %dma_wait3A_17, %dma_wait3A_18] : memref<4608x1x768xf32, #tpu.memory_space<hbm>> -> memref<80x1x768xf32, #tpu.memory_space<hbm>>
      %dma_wait3A_20 = arith.constant 0 : i32
      %dma_wait3A_21 = arith.constant 0 : i32
      %dma_wait3A_22 = tpu.memref_slice %arg4[%add3A_10, %dma_wait3A_20, %dma_wait3A_21] : memref<4608x1x768xf32, #tpu.memory_space<hbm>> -> memref<80x1x768xf32, #tpu.memory_space<hbm>>
      tpu.wait_dma2 semaphore(%run_scoped3A : memref<!tpu.dma_semaphore, #tpu.memory_space<semaphore_mem>>) src(%arg7 : memref<80x1x768xf32, #tpu.memory_space<vmem>>) dst(%dma_wait3A_22 : memref<80x1x768xf32, #tpu.memory_space<hbm>>)
      tpu.yield
    }) : () -> ()
    return
  }
}

#map = affine_map<(d0, d1) -> (0, 0, 0)>
#map1 = affine_map<(d0, d1) -> (0)>
module attributes {stable_mosaic.version = 14 : i64} {
  func.func @_sc_head(%arg0: i32, %arg1: i32, %arg2: memref<256x1x768xf32, #tpu.memory_space<hbm>>, %arg3: memref<2048xi32, #tpu.memory_space<hbm>>, %arg4: memref<4608x1x768xf32, #tpu.memory_space<hbm>>, %arg5: memref<64xi32, #tpu.memory_space<vmem>>, %arg6: memref<64x1x768xf32, #tpu.memory_space<vmem>>, %arg7: memref<!tpu.dma_semaphore, #tpu.memory_space<semaphore_mem>>) attributes {dimension_semantics = [#tpu.dimension_semantics<core_parallel>, #tpu.dimension_semantics<subcore_parallel>], iteration_bounds = array<i64: 2, 16>, scalar_prefetch = 0 : i64, scratch_operands = 3 : i64, tpu.core_type = #tpu.core_type<sc_vector_subcore>, window_params = [{transform_indices = #map}, {transform_indices = #map1}, {transform_indices = #map}]} {
    %mul3A = arith.constant 2 : i32
    %mul3A_0 = arith.muli %arg1, %mul3A : i32
    %add3A = arith.addi %mul3A_0, %arg0 : i32
    %mul3A_1 = arith.constant 64 : i32
    %mul3A_2 = arith.muli %add3A, %mul3A_1 : i32
    "tpu.region"() ({
      %run_scoped3A = tpu.sem_alloc : memref<!tpu.dma_semaphore, #tpu.memory_space<semaphore_mem>>
      %dma_start3A_9 = tpu.memref_slice %arg3[%mul3A_2] : memref<2048xi32, #tpu.memory_space<hbm>> -> memref<64xi32, #tpu.memory_space<hbm>>
      %dma_start3A_10 = tpu.memref_slice %arg3[%mul3A_2] : memref<2048xi32, #tpu.memory_space<hbm>> -> memref<64xi32, #tpu.memory_space<hbm>>
      tpu.enqueue_dma source(%dma_start3A_10 : memref<64xi32, #tpu.memory_space<hbm>>) target(%arg5 : memref<64xi32, #tpu.memory_space<vmem>>) target_semaphore(%run_scoped3A : memref<!tpu.dma_semaphore, #tpu.memory_space<semaphore_mem>>)
      %dma_wait3A_11 = tpu.memref_slice %arg3[%mul3A_2] : memref<2048xi32, #tpu.memory_space<hbm>> -> memref<64xi32, #tpu.memory_space<hbm>>
      %dma_wait3A_12 = tpu.memref_slice %arg3[%mul3A_2] : memref<2048xi32, #tpu.memory_space<hbm>> -> memref<64xi32, #tpu.memory_space<hbm>>
      tpu.wait_dma2 semaphore(%run_scoped3A : memref<!tpu.dma_semaphore, #tpu.memory_space<semaphore_mem>>) src(%dma_wait3A_12 : memref<64xi32, #tpu.memory_space<hbm>>) dst(%arg5 : memref<64xi32, #tpu.memory_space<vmem>>)
      tpu.yield
    }) : () -> ()
    %dma_start3A = arith.constant 0 : i32
    %dma_start3A_3 = arith.constant 0 : i32
    %dma_start3A_4 = arith.constant 0 : i32
    %dma_start3A_5 = tpu.memref_slice %arg2[%dma_start3A, %dma_start3A_3, %dma_start3A_4] : memref<256x1x768xf32, #tpu.memory_space<hbm>> -> memref<256x1x768xf32, #tpu.memory_space<hbm>>
    tpu.enqueue_indirect_dma source(%dma_start3A_5 : memref<256x1x768xf32, #tpu.memory_space<hbm>>) target(%arg6 : memref<64x1x768xf32, #tpu.memory_space<vmem>>) offsets(%arg5 : memref<64xi32, #tpu.memory_space<vmem>>) semaphore(%arg7 : memref<!tpu.dma_semaphore, #tpu.memory_space<semaphore_mem>>)
    %dma_wait3A = arith.constant 0 : i32
    %dma_wait3A_6 = arith.constant 0 : i32
    %dma_wait3A_7 = arith.constant 0 : i32
    %dma_wait3A_8 = tpu.memref_slice %arg2[%dma_wait3A, %dma_wait3A_6, %dma_wait3A_7] : memref<256x1x768xf32, #tpu.memory_space<hbm>> -> memref<256x1x768xf32, #tpu.memory_space<hbm>>
    tpu.wait_indirect_dma semaphore(%arg7 : memref<!tpu.dma_semaphore, #tpu.memory_space<semaphore_mem>>) src(%dma_wait3A_8 : memref<256x1x768xf32, #tpu.memory_space<hbm>>) dst(%arg6 : memref<64x1x768xf32, #tpu.memory_space<vmem>>)
    "tpu.region"() ({
      %run_scoped3A = tpu.sem_alloc : memref<!tpu.dma_semaphore, #tpu.memory_space<semaphore_mem>>
      %dma_start3A_9 = arith.constant 0 : i32
      %dma_start3A_10 = arith.constant 0 : i32
      %dma_start3A_11 = tpu.memref_slice %arg4[%mul3A_2, %dma_start3A_9, %dma_start3A_10] : memref<4608x1x768xf32, #tpu.memory_space<hbm>> -> memref<64x1x768xf32, #tpu.memory_space<hbm>>
      %dma_start3A_12 = arith.constant 0 : i32
      %dma_start3A_13 = arith.constant 0 : i32
      %dma_start3A_14 = tpu.memref_slice %arg4[%mul3A_2, %dma_start3A_12, %dma_start3A_13] : memref<4608x1x768xf32, #tpu.memory_space<hbm>> -> memref<64x1x768xf32, #tpu.memory_space<hbm>>
      tpu.enqueue_dma source(%arg6 : memref<64x1x768xf32, #tpu.memory_space<vmem>>) target(%dma_start3A_14 : memref<64x1x768xf32, #tpu.memory_space<hbm>>) target_semaphore(%run_scoped3A : memref<!tpu.dma_semaphore, #tpu.memory_space<semaphore_mem>>)
      %dma_wait3A_15 = arith.constant 0 : i32
      %dma_wait3A_16 = arith.constant 0 : i32
      %dma_wait3A_17 = tpu.memref_slice %arg4[%mul3A_2, %dma_wait3A_15, %dma_wait3A_16] : memref<4608x1x768xf32, #tpu.memory_space<hbm>> -> memref<64x1x768xf32, #tpu.memory_space<hbm>>
      %dma_wait3A_18 = arith.constant 0 : i32
      %dma_wait3A_19 = arith.constant 0 : i32
      %dma_wait3A_20 = tpu.memref_slice %arg4[%mul3A_2, %dma_wait3A_18, %dma_wait3A_19] : memref<4608x1x768xf32, #tpu.memory_space<hbm>> -> memref<64x1x768xf32, #tpu.memory_space<hbm>>
      tpu.wait_dma2 semaphore(%run_scoped3A : memref<!tpu.dma_semaphore, #tpu.memory_space<semaphore_mem>>) src(%arg6 : memref<64x1x768xf32, #tpu.memory_space<vmem>>) dst(%dma_wait3A_20 : memref<64x1x768xf32, #tpu.memory_space<hbm>>)
      tpu.yield
    }) : () -> ()
    return
  }
}

module attributes {stable_mosaic.version = 14 : i64} {
  func.func @_enc_chunk_kernel(%arg0: i32, %arg1: memref<512x768xf32, #tpu.memory_space<vmem>>, %arg2: memref<256x768xf32, #tpu.memory_space<vmem>>, %arg3: memref<256xf32, #tpu.memory_space<vmem>>, %arg4: memref<512xi32, #tpu.memory_space<vmem>>) attributes {dimension_semantics = [#tpu.dimension_semantics<arbitrary>], iteration_bounds = array<i64: 5>, scalar_prefetch = 0 : i64, scratch_operands = 0 : i64, tpu.core_type = #tpu.core_type<tc>, window_params = [{transform_indices = @transform_0, window_bounds = array<i64: 512, 768>}, {pipeline_mode = #tpu.pipeline_mode<synchronous>, transform_indices = @transform_1, window_bounds = array<i64: 256, 768>}, {pipeline_mode = #tpu.pipeline_mode<synchronous>, transform_indices = @transform_2, window_bounds = array<i64: 256>}, {transform_indices = @transform_3, window_bounds = array<i64: 512>}]} {
    %get3A = arith.constant 0 : index
    %get3A_0 = arith.constant 0 : index
    %get3A_1 = vector.load %arg2[%get3A, %get3A_0] : memref<256x768xf32, #tpu.memory_space<vmem>>, vector<256x768xf32>
    %get3A_2 = arith.constant 0 : index
    %get3A_3 = arith.constant 0 : index
    %get3A_4 = vector.load %arg1[%get3A_2, %get3A_3] : memref<512x768xf32, #tpu.memory_space<vmem>>, vector<512x768xf32>
    %dot_general3A = arith.constant dense<0.000000e+00> : vector<256x512xf32>
    %dot_general3A_5 = tpu.matmul %get3A_1, %get3A_4, %dot_general3A {dimension_numbers = #tpu.dot_dimension_numbers<[1], [1], [0], [0], [0, 0, 1, 0], [], []>, transpose_lhs_hint = false} : vector<256x768xf32>, vector<512x768xf32>, vector<256x512xf32> -> vector<256x512xf32>
    %get3A_6 = arith.constant 0 : index
    %get3A_7 = vector.load %arg3[%get3A_6] : memref<256xf32, #tpu.memory_space<vmem>>, vector<256xf32>
    %reshape3A = vector.shape_cast %get3A_7 : vector<256xf32> to vector<1x256xf32>
    %transpose3A = tpu.transpose %reshape3A, [1, 0] : vector<1x256xf32> -> vector<256x1xf32>
    %add3A = vector.broadcast %transpose3A : vector<256x1xf32> to vector<256x512xf32>
    %add3A_8 = arith.addf %dot_general3A_5, %add3A : vector<256x512xf32>
    %reduce_max3A = arith.constant dense<0xFF800000> : vector<512xf32>
    %reduce_max3A_9 = vector.multi_reduction <maximumf>, %add3A_8, %reduce_max3A [0] : vector<256x512xf32> to vector<512xf32>
    %broadcast_in_dim3A = vector.shape_cast %reduce_max3A_9 : vector<512xf32> to vector<1x512xf32>
    %iota3A = tpu.iota {dimensions = array<i32: 0>} : vector<256x512xi32>
    %eq3A = vector.broadcast %broadcast_in_dim3A : vector<1x512xf32> to vector<256x512xf32>
    %eq3A_10 = arith.cmpf oeq, %add3A_8, %eq3A : vector<256x512xf32>
    %jit3A = arith.constant 256 : i32
    %broadcast_in_dim3A_11 = vector.broadcast %jit3A : i32 to vector<256x512xi32>
    %select_n3A = arith.select %eq3A_10, %iota3A, %broadcast_in_dim3A_11 : vector<256x512xi1>, vector<256x512xi32>
    %reduce_min3A = arith.constant dense<2147483647> : vector<512xi32>
    %reduce_min3A_12 = vector.multi_reduction <minsi>, %select_n3A, %reduce_min3A [0] : vector<256x512xi32> to vector<512xi32>
    %swap3A = arith.constant 0 : index
    %swap3A_13 = vector.load %arg4[%swap3A] : memref<512xi32, #tpu.memory_space<vmem>>, vector<512xi32>
    tpu.vector_store %arg4[%swap3A], %reduce_min3A_12 {strides = array<i32>} : memref<512xi32, #tpu.memory_space<vmem>>, vector<512xi32>,
    return
  }
  func.func @transform_0(%arg0: i32) -> (i32, i32) {
    %add3A = arith.constant 4 : i32
    %add3A_0 = arith.addi %add3A, %arg0 : i32
    %c0_i32 = arith.constant 0 : i32
    %c0_i32_1 = arith.constant 0 : i32
    return %add3A_0, %c0_i32 : i32, i32
  }
  func.func @transform_1(%arg0: i32) -> (i32, i32) {
    %c0_i32 = arith.constant 0 : i32
    %c0_i32_0 = arith.constant 0 : i32
    %c0_i32_1 = arith.constant 0 : i32
    return %c0_i32, %c0_i32_0 : i32, i32
  }
  func.func @transform_2(%arg0: i32) -> i32 {
    %c0_i32 = arith.constant 0 : i32
    %c0_i32_0 = arith.constant 0 : i32
    return %c0_i32 : i32
  }
  func.func @transform_3(%arg0: i32) -> i32 {
    %c0_i32 = arith.constant 0 : i32
    return %arg0 : i32
  }
}

module attributes {stable_mosaic.version = 14 : i64} {
  func.func @_enc_chunk0_kernel(%arg0: i32, %arg1: memref<512x768xf32, #tpu.memory_space<vmem>>, %arg2: memref<256x768xf32, #tpu.memory_space<vmem>>, %arg3: memref<256xf32, #tpu.memory_space<vmem>>, %arg4: memref<256x256xf32, #tpu.memory_space<vmem>>, %arg5: memref<768x256xf32, #tpu.memory_space<vmem>>, %arg6: memref<768xf32, #tpu.memory_space<vmem>>, %arg7: memref<512xi32, #tpu.memory_space<vmem>>, %arg8: memref<256x1x768xf32, #tpu.memory_space<vmem>>) attributes {dimension_semantics = [#tpu.dimension_semantics<arbitrary>], iteration_bounds = array<i64: 4>, scalar_prefetch = 0 : i64, scratch_operands = 0 : i64, tpu.core_type = #tpu.core_type<tc>, window_params = [{transform_indices = @transform_0, window_bounds = array<i64: 512, 768>}, {pipeline_mode = #tpu.pipeline_mode<synchronous>, transform_indices = @transform_1, window_bounds = array<i64: 256, 768>}, {pipeline_mode = #tpu.pipeline_mode<synchronous>, transform_indices = @transform_2, window_bounds = array<i64: 256>}, {transform_indices = @transform_3, window_bounds = array<i64: 256, 256>}, {pipeline_mode = #tpu.pipeline_mode<synchronous>, transform_indices = @transform_4, window_bounds = array<i64: 768, 256>}, {pipeline_mode = #tpu.pipeline_mode<synchronous>, transform_indices = @transform_5, window_bounds = array<i64: 768>}, {transform_indices = @transform_6, window_bounds = array<i64: 512>}, {pipeline_mode = #tpu.pipeline_mode<synchronous>, transform_indices = @transform_7, window_bounds = array<i64: 256, 1, 768>}]} {
    %get3A = arith.constant 0 : index
    %get3A_0 = arith.constant 0 : index
    %get3A_1 = vector.load %arg2[%get3A, %get3A_0] : memref<256x768xf32, #tpu.memory_space<vmem>>, vector<256x768xf32>
    %get3A_2 = arith.constant 0 : index
    %get3A_3 = arith.constant 0 : index
    %get3A_4 = vector.load %arg1[%get3A_2, %get3A_3] : memref<512x768xf32, #tpu.memory_space<vmem>>, vector<512x768xf32>
    %dot_general3A = arith.constant dense<0.000000e+00> : vector<256x512xf32>
    %dot_general3A_5 = tpu.matmul %get3A_1, %get3A_4, %dot_general3A {dimension_numbers = #tpu.dot_dimension_numbers<[1], [1], [0], [0], [0, 0, 1, 0], [], []>, transpose_lhs_hint = false} : vector<256x768xf32>, vector<512x768xf32>, vector<256x512xf32> -> vector<256x512xf32>
    %get3A_6 = arith.constant 0 : index
    %get3A_7 = vector.load %arg3[%get3A_6] : memref<256xf32, #tpu.memory_space<vmem>>, vector<256xf32>
    %reshape3A = vector.shape_cast %get3A_7 : vector<256xf32> to vector<1x256xf32>
    %transpose3A = tpu.transpose %reshape3A, [1, 0] : vector<1x256xf32> -> vector<256x1xf32>
    %add3A = vector.broadcast %transpose3A : vector<256x1xf32> to vector<256x512xf32>
    %add3A_8 = arith.addf %dot_general3A_5, %add3A : vector<256x512xf32>
    %reduce_max3A = arith.constant dense<0xFF800000> : vector<512xf32>
    %reduce_max3A_9 = vector.multi_reduction <maximumf>, %add3A_8, %reduce_max3A [0] : vector<256x512xf32> to vector<512xf32>
    %broadcast_in_dim3A = vector.shape_cast %reduce_max3A_9 : vector<512xf32> to vector<1x512xf32>
    %iota3A = tpu.iota {dimensions = array<i32: 0>} : vector<256x512xi32>
    %eq3A = vector.broadcast %broadcast_in_dim3A : vector<1x512xf32> to vector<256x512xf32>
    %eq3A_10 = arith.cmpf oeq, %add3A_8, %eq3A : vector<256x512xf32>
    %jit3A = arith.constant 256 : i32
    %broadcast_in_dim3A_11 = vector.broadcast %jit3A : i32 to vector<256x512xi32>
    %select_n3A = arith.select %eq3A_10, %iota3A, %broadcast_in_dim3A_11 : vector<256x512xi1>, vector<256x512xi32>
    %reduce_min3A = arith.constant dense<2147483647> : vector<512xi32>
    %reduce_min3A_12 = vector.multi_reduction <minsi>, %select_n3A, %reduce_min3A [0] : vector<256x512xi32> to vector<512xi32>
    %swap3A = arith.constant 0 : index
    %swap3A_13 = vector.load %arg7[%swap3A] : memref<512xi32, #tpu.memory_space<vmem>>, vector<512xi32>
    tpu.vector_store %arg7[%swap3A], %reduce_min3A_12 {strides = array<i32>} : memref<512xi32, #tpu.memory_space<vmem>>, vector<512xi32>,
    %eq3A_14 = arith.constant 0 : i32
    %eq3A_15 = arith.cmpi eq, %arg0, %eq3A_14 : i32
    %convert_element_type3A = arith.extui %eq3A_15 : i1 to i32
    %cond3A = arith.constant 0 : i32
    %cond3A_16 = arith.cmpi ne, %convert_element_type3A, %cond3A : i32
    scf.if %cond3A_16 {
      %get3A_17 = arith.constant 0 : index
      %get3A_18 = arith.constant 0 : index
      %get3A_19 = vector.load %arg4[%get3A_17, %get3A_18] : memref<256x256xf32, #tpu.memory_space<vmem>>, vector<256x256xf32>
      %get3A_20 = arith.constant 0 : index
      %get3A_21 = arith.constant 0 : index
      %get3A_22 = vector.load %arg5[%get3A_20, %get3A_21] : memref<768x256xf32, #tpu.memory_space<vmem>>, vector<768x256xf32>
      %dot_general3A_23 = arith.constant dense<0.000000e+00> : vector<256x768xf32>
      %dot_general3A_24 = tpu.matmul %get3A_19, %get3A_22, %dot_general3A_23 {dimension_numbers = #tpu.dot_dimension_numbers<[1], [1], [0], [0], [0, 0, 1, 0], [], []>, transpose_lhs_hint = false} : vector<256x256xf32>, vector<768x256xf32>, vector<256x768xf32> -> vector<256x768xf32>
      %get3A_25 = arith.constant 0 : index
      %get3A_26 = vector.load %arg6[%get3A_25] : memref<768xf32, #tpu.memory_space<vmem>>, vector<768xf32>
      %broadcast_in_dim3A_27 = vector.shape_cast %get3A_26 : vector<768xf32> to vector<1x768xf32>
      %add3A_28 = vector.broadcast %broadcast_in_dim3A_27 : vector<1x768xf32> to vector<256x768xf32>
      %add3A_29 = arith.addf %dot_general3A_24, %add3A_28 : vector<256x768xf32>
      %broadcast_in_dim3A_30 = vector.shape_cast %add3A_29 : vector<256x768xf32> to vector<256x1x768xf32>
      %swap3A_31 = arith.constant 0 : index
      %swap3A_32 = arith.constant 0 : index
      %swap3A_33 = arith.constant 0 : index
      %swap3A_34 = vector.load %arg8[%swap3A_31, %swap3A_32, %swap3A_33] : memref<256x1x768xf32, #tpu.memory_space<vmem>>, vector<256x1x768xf32>
      tpu.vector_store %arg8[%swap3A_31, %swap3A_32, %swap3A_33], %broadcast_in_dim3A_30 {strides = array<i32>} : memref<256x1x768xf32, #tpu.memory_space<vmem>>, vector<256x1x768xf32>,
    } else {
    }
    return
  }
  func.func @transform_0(%arg0: i32) -> (i32, i32) {
    %c0_i32 = arith.constant 0 : i32
    %c0_i32_0 = arith.constant 0 : i32
    return %arg0, %c0_i32 : i32, i32
  }
  func.func @transform_1(%arg0: i32) -> (i32, i32) {
    %c0_i32 = arith.constant 0 : i32
    %c0_i32_0 = arith.constant 0 : i32
    %c0_i32_1 = arith.constant 0 : i32
    return %c0_i32, %c0_i32_0 : i32, i32
  }
  func.func @transform_2(%arg0: i32) -> i32 {
    %c0_i32 = arith.constant 0 : i32
    %c0_i32_0 = arith.constant 0 : i32
    return %c0_i32 : i32
  }
  func.func @transform_3(%arg0: i32) -> (i32, i32) {
    %c0_i32 = arith.constant 0 : i32
    %c0_i32_0 = arith.constant 0 : i32
    %c0_i32_1 = arith.constant 0 : i32
    return %c0_i32, %c0_i32_0 : i32, i32
  }
  func.func @transform_4(%arg0: i32) -> (i32, i32) {
    %c0_i32 = arith.constant 0 : i32
    %c0_i32_0 = arith.constant 0 : i32
    %c0_i32_1 = arith.constant 0 : i32
    return %c0_i32, %c0_i32_0 : i32, i32
  }
  func.func @transform_5(%arg0: i32) -> i32 {
    %c0_i32 = arith.constant 0 : i32
    %c0_i32_0 = arith.constant 0 : i32
    return %c0_i32 : i32
  }
  func.func @transform_6(%arg0: i32) -> i32 {
    %c0_i32 = arith.constant 0 : i32
    return %arg0 : i32
  }
  func.func @transform_7(%arg0: i32) -> (i32, i32, i32) {
    %c0_i32 = arith.constant 0 : i32
    %c0_i32_0 = arith.constant 0 : i32
    %c0_i32_1 = arith.constant 0 : i32
    %c0_i32_2 = arith.constant 0 : i32
    return %c0_i32, %c0_i32_0, %c0_i32_1 : i32, i32, i32
  }
}

</mosaic_0001>

<sc_bundles>
// kernel: kernel.6.cloned.1.call-start
scs
__scs_entry_jumppad:
0x0: {  	(pc) =	sbr.rel $0x88, $3  }
0x1: {  	(tag) =	ssettag $0x0;
	lr =	simm.s32 $0x1  }
0x2: {  	[smem:$0x3F9B] =	sst lr;
	_ =	strace $0xD0000000  }
0x3: {  	_ = 	snop  }
0x4: {  	_ = 	snop  }
0x5: {  	_ = 	snop  }
0x6: {  	_ = 	snop  }
0x7: {  	_ = 	snop  }
__scs_overlays_trampoline_lowered:
0x8: {  	[smem:$0x3FAA] =	sst s0  }
0x9: {  	[smem:$0x3FAB] =	sst s1  }
0xa: {  	[smem:$0x3FAC] =	sst s2  }
0xb: {  	[smem:$0x3FAD] =	sst s3  }
0xc: {  	[smem:$0x3FAE] =	sst s4  }
0xd: {  	[smem:$0x3FAF] =	sst s5  }
0xe: {  	[smem:$0x3FB0] =	sst s6  }
0xf: {  	[smem:$0x3FB1] =	sst s7  }
0x10: {  	[smem:$0x3FB2] =	sst s8  }
0x11: {  	[smem:$0x3FB3] =	sst s9;
	s0 =	simm.s32 @!p0 $0x0  }
0x12: {  	s1 =	sld [smem:$0x3F99];
	s0 =	simm.s32 @p0 $0x1  }
0x13: {  	[smem:$0x3FB4] =	sst s0;
	s0 =	simm.s32 @!p1 $0x0  }
0x14: {  	s2 =	sld [smem:$0x3F98];
	s0 =	simm.s32 @p1 $0x1  }
0x15: {  	[smem:$0x3FB5] =	sst s0;
	s0 =	simm.s32 @!p2 $0x0  }
0x16: {  	s3 =	sld [smem:$0x3FDB];
	s0 =	simm.s32 @p2 $0x1  }
0x17: {  	s4 =	simm.s32 $0x1BF5;
	[smem:$0x3FB7] =	sst s0  }
0x18: {  	s0 =	sld [smem:$0x3F9A];
	_ =	swait.ge [sflag:s4], $0x0  }
0x19: {  	s7 =	sld [smem:$0x3F9B]  }
0x1a: {  	s8 =	sadd.s32 $0xFFFFE003, lr  }
0x1b: {  	s9 =	sadd.s32 $0xFFFFFEF7, lr;
	s5 =	simm.s32 $0xFFFFFFFF;
	p2 =	slt.u32 s8, $0xFFFFF086  }
0x1c: {  	p1 =	slt.u32 s9, $0xF7A;
	s5 =	simm.s32 @!p2 $0x0  }
0x1d: {  	s5 =	simm.s32 @p1 $0x1;
	p0 =	seq.s32 s7, s2  }
0x1e: {  	s7 =	smul.u32 @!p0 $0xF7A, s2;
	p2 =	seq.s32 @!p0 s5, $0x0  }
0x1f: {  	s9 =	smul.u32 $0xF7A, s1;
	s8 =	simm.s32 @!p0 $0x1BF5;
	p2 =	por !p2, p0  }
0x20: {  	[sflag:s8] =	ssyncset.s32 @!p0 $0xFFFFF086;
	s6 =	sadd.s32 @!p0 s3, s7;
	s7 =	simm.s32 @!p0 $0x108  }
0x21: {  	s3 =	sadd.s32 s3, s9;
	s6 =	sadd.s32 @!p0 $0x88, s6;
	s7 =	simm.s32 @p2 $0x1082  }
0x22: {  	[simem:s7], [sflag:s8] =	dma.local @!p0 [hbm:s6], $0xF7A  }
0x23: {  	s9 =	sor.u32 $0xD0000000, s2;
	s6 =	simm.s32 $0x108;
	_ =	swait.ge @!p0 [sflag:s8], $0x0  }
0x24: {  	s3 =	sadd.s32 $0x88, s3;
	s6 =	simm.s32 @!p1 $0x1082;
	[sflag:s4] =	ssyncset.s32 $0xFFFFF086  }
0x25: {  	[simem:s6], [sflag:s4] =	dma.local [hbm:s3], $0xF7A  }
0x26: {  	[smem:$0x3F9B] =	sst s1;
	(tag) =	ssettag s2;
	_ =	strace s9  }
0x27: {  	s1 =	sld [smem:$0x3FAB]  }
0x28: {  	s2 =	sld [smem:$0x3FAC]  }
0x29: {  	s4 =	sld [smem:$0x3FAE]  }
0x2a: {  	p0 =	seq.s32 s5, $0x0;
	s5 =	sld [smem:$0x3FAF]  }
0x2b: {  	s6 =	sld [smem:$0x3FB0]  }
0x2c: {  	s7 =	sld [smem:$0x3FB1]  }
0x2d: {  	s3 =	simm.s32 $0x108;
	s8 =	sld [smem:$0x3FB2]  }
0x2e: {  	s3 =	simm.s32 @!p0 $0x1082;
	s9 =	sld [smem:$0x3FB3]  }
0x2f: {  	lr =	sadd.s32 s0, s3;
	s0 =	sld [smem:$0x3FAA]  }
0x30: {  	s3 =	sld [smem:$0x3FAD]  }
0x31: {  	[smem:$0x3FB6] =	sst s10  }
0x32: {  	s10 =	sld [smem:$0x3FB4];
	_ =	sdelay $0x3  }
0x33: {  	p0 =	seq.s32 s10, $0x1;
	s10 =	sld [smem:$0x3FB6];
	_ =	sdelay $0x3  }
0x34: {  	[smem:$0x3FB6] =	sst s10  }
0x35: {  	s10 =	sld [smem:$0x3FB5];
	_ =	sdelay $0x3  }
0x36: {  	p1 =	seq.s32 s10, $0x1;
	s10 =	sld [smem:$0x3FB6];
	_ =	sdelay $0x3  }
0x37: {  	[smem:$0x3FB6] =	sst s10  }
0x38: {  	s10 =	sld [smem:$0x3FB7]  }
0x39: {  	_ = 	snop;
	(pc) =	sbr.ind lr, $3  }
0x3a: {  	_ = 	snop  }
0x3b: {  	_ = 	snop  }
0x3c: {  	p2 =	seq.s32 s10, $0x1;
	s10 =	sld [smem:$0x3FB6]  }
0x3d: {  	_ =	shalt  }
0x3e: {  	_ =	shalt  }
0x3f: {  	_ =	shalt  }
0x40: {  	_ =	shalt  }
0x41: {  	_ =	shalt  }
0x42: {  	_ =	shalt  }
0x43: {  	_ =	shalt  }
0x44: {  	_ =	shalt  }
0x45: {  	_ =	shalt  }
0x46: {  	_ =	shalt  }
0x47: {  	_ =	shalt  }
0x48: {  	_ =	shalt  }
0x49: {  	_ =	shalt  }
0x4a: {  	_ =	shalt  }
0x4b: {  	_ =	shalt  }
0x4c: {  	_ =	shalt  }
0x4d: {  	_ =	shalt  }
0x4e: {  	_ =	shalt  }
0x4f: {  	_ =	shalt  }
0x50: {  	_ =	shalt  }
0x51: {  	_ =	shalt  }
0x52: {  	_ =	shalt  }
0x53: {  	_ =	shalt  }
0x54: {  	_ =	shalt  }
0x55: {  	_ =	shalt  }
0x56: {  	_ =	shalt  }
0x57: {  	_ =	shalt  }
0x58: {  	_ =	shalt  }
0x59: {  	_ =	shalt  }
0x5a: {  	_ =	shalt  }
0x5b: {  	_ =	shalt  }
0x5c: {  	_ =	shalt  }
0x5d: {  	_ =	shalt  }
0x5e: {  	_ =	shalt  }
0x5f: {  	_ =	shalt  }
0x60: {  	_ =	shalt  }
0x61: {  	_ =	shalt  }
0x62: {  	_ =	shalt  }
0x63: {  	_ =	shalt  }
0x64: {  	_ =	shalt  }
0x65: {  	_ =	shalt  }
0x66: {  	_ =	shalt  }
0x67: {  	_ =	shalt  }
0x68: {  	_ =	shalt  }
0x69: {  	_ =	shalt  }
0x6a: {  	_ =	shalt  }
0x6b: {  	_ =	shalt  }
0x6c: {  	_ =	shalt  }
0x6d: {  	_ =	shalt  }
0x6e: {  	_ =	shalt  }
0x6f: {  	_ =	shalt  }
0x70: {  	_ =	shalt  }
0x71: {  	_ =	shalt  }
0x72: {  	_ =	shalt  }
0x73: {  	_ =	shalt  }
0x74: {  	_ =	shalt  }
0x75: {  	_ =	shalt  }
0x76: {  	_ =	shalt  }
0x77: {  	_ =	shalt  }
0x78: {  	_ =	shalt  }
0x79: {  	_ =	shalt  }
0x7a: {  	_ =	shalt  }
0x7b: {  	_ =	shalt  }
0x7c: {  	_ =	shalt  }
0x7d: {  	_ =	shalt  }
0x7e: {  	_ =	shalt  }
0x7f: {  	_ =	shalt  }
0x80: {  	_ =	shalt  }
0x81: {  	_ =	shalt  }
0x82: {  	_ =	shalt  }
0x83: {  	_ =	shalt  }
0x84: {  	_ =	shalt  }
0x85: {  	_ =	shalt  }
0x86: {  	_ =	shalt  }
0x87: {  	_ =	shalt  }
.Lfunc_end0:
.L_simem_size_0:
called_computation_lowered:
.L_overlay_start_0:
0x88: {  	s2 =	sld [smem:$0x3FD9]  }
0x89: {  	s3 =	sld [smem:$0x3FFE];
	_ =	sdelay $0x1  }
0x8a: {  	s1 =	srdreg.scid  }
0x8b: {  	s0 =	sand.u32 $0x1, s1  }
0x8c: {  	s17 =	sshll.u32 s0, $0xA;
	s2 =	sadd.s32 s3, s2  }
0x8d: {  	s2 =	sadd.s32 s2, s17  }
0x8e: {  	[smem:$0x3FC2] =	sst s2  }
0x8f: {  	_ = 	snop  }
0x90: {  	s2 =	sld [smem:$0x3FD0];
	(tm) =	ssettm $0x1  }
0x91: {  	s18 =	sld [smem:$0x3FFB];
	_ =	sdelay $0x3  }
0x92: {  	_ =	strace s18  }
0x93: {  	s3 =	sld [smem:$0x3FFC];
	_ =	sdelay $0x3  }
0x94: {  	_ =	strace s3  }
0x95: {  	s3 =	sld [smem:$0x3FFD];
	_ =	sdelay $0x3  }
0x96: {  	_ =	strace s3  }
0x97: {  	_ =	strace $0x8FFFFFFF  }
0x98: {  	s19 =	sld [smem:$0x3FDB];
	_ =	sdelay $0x1  }
0x99: {  	s4 =	simm.s32 $_scs_section_size  }
0x9a: {  	s5 =	simm.s32 $_size__tile_overlayer_lowered;
	s6 =	simm.s32 $_tile_overlayer_lowered  }
0x9b: {  	s22 =	simm.s32 $0x1BFF;
	s21 =	sshll.u32 s6, $0x1;
	s3 =	sadd.s32 s4, s19  }
0x9c: {  	s7 =	simm.s32 $0x0;
	s20 =	sshll.u32 s5, $0x1;
	s5 =	sadd.s32 s21, s3  }
0x9d: {  	[timem:s7], [sflag:s22] =	dma.local [hbm:s5], s20  }
0x9e: {  	_ =	swait.ge [sflag:s22], s20  }
0x9f: {  	s4 =	ssub.s32 $0x0, s20;
	[sflag:s22] =	ssyncset.done $0x0  }
0xa0: {  	[sflag:s22] =	ssyncadd.s32 s4;
	_ =	sdelay $0x1  }
0xa1: {  	s23 =	simm.s32 $0x1B8B  }
0xa2: {  	_ =	swait.ge [sflag:s23], $0x1  }
0xa3: {  	[sflag:s23] =	ssyncset.done $0x0  }
0xa4: {  	s25 =	simm.s32 $0x1B8E;
	s24 =	sld [smem:$0x3FFE];
	[sflag:s23] =	ssyncadd.s32 $0xFFFFFFFF  }
0xa5: {  	s26 =	simm.s32 $execute0_lowered;
	[smem:$0x3FD2] =	sst s25  }
0xa6: {  	s5 =	sshll.u32 s26, $0x1;
	_ =	strace $0x80000046;
	[dreg:$0x1] =	wrdreg $0xFFFFFFFF  }
0xa7: {  	s28 =	simm.s32 $_size_execute0_lowered;
	s3 =	sadd.s32 s3, s5;
	[dreg:$0x0] =	wrdreg $0x0  }
0xa8: {  	s5 =	sshll.u32 s28, $0x1;
	[dreg:$0x2] =	wrdreg s3  }
0xa9: {  	[dreg:$0x3] =	wrdreg s5  }
0xaa: {  	[dreg:$0x4] =	wrdreg $0xC0  }
0xab: {  	_ =	task [dreg:s7], $0x5FFFF  }
0xac: {  	[dreg:$0x1] =	wrdreg $0xFFFFFFFF  }
0xad: {  	[dreg:$0x0] =	wrdreg $0x60  }
0xae: {  	[dreg:$0x2] =	wrdreg s24  }
0xaf: {  	[dreg:$0x3] =	wrdreg s2  }
0xb0: {  	[dreg:$0x4] =	wrdreg $0x9  }
0xb1: {  	_ =	task.clear_ibuf [dreg:s7], $0x5FFFF;
	_ =	strace $0x90000046  }
0xb2: {  	s29 =	simm.s32 $0x9;
	_ =	strace $0x80000048  }
0xb3: {  	_ =	swait.ge [sflag:s29], $0x1  }
0xb4: {  	[sflag:s29] =	ssyncadd.s32 $0xFFFFFFFF  }
0xb5: {  	_ =	strace $0x90000048  }
0xb6: {  	_ =	sfence  }
0xb7: {  	s30 =	sld [smem:$0x0];
	_ =	sdelay $0x2  }
0xb8: {  	s31 =	sshll.u32 s1, $0xD;
	s1 =	sshrl.u32 s1, $0x2  }
0xb9: {  	s3 =	sand.u32 $0x4000, s31;
	s1 =	sadd.s32 s1, s30  }
0xba: {  	s0 =	sor.u32 s3, s0;
	s1 =	sshll.u32 s1, $0x11  }
0xbb: {  	s0 =	sor.u32 s1, s0  }
0xbc: {  	s0 =	sadd.s32 $0x8F2B, s0  }
0xbd: {  	[sflag:s0] =	ssyncadd.remote.s32 $0x1  }
0xbe: {  	_ =	sfence.sel $0xFFFF  }
0xbf: {  	[dreg:$0x0] =	wrdreg $0xFFFFFFFF;
	(pc) =	sbr.abs _section_cstart, $3  }
0xc0: {  	[dreg:$0x1] =	wrdreg $0xFFFFFFFF  }
0xc1: {  	_ =	task.clear_ibuf [dreg:s7], $0x2FFFF;
	_ =	strace $0x9FFFFFFF  }
0xc2: {  	(tm) =	ssettm $0x7FFFFFFF  }
0xc3: {  	_ =	shalt  }
tec
execute0_lowered:
.L_overlay_start_1:
0x0: {  	(tag) =	ssettag $0x1  }
0x1: {  	s1 =	srdreg.scid  }
0x2: {  	s0 =	stileid.u32;
	s6 =	sand.u32 $0x1, s1  }
0x3: {  	s5 =	rddreg [dreg:$0x0];
	s30 =	sshll.u32 s0, $0x7;
	s2 =	sshll.u32 s6, $0x6  }
0x4: {  	s9 =	rddreg [dreg:$0x1];
	s7 =	simm.s32 $0x80;
	s10 =	sor.u32 s2, s30  }
0x5: {  	s1 =	rddreg [dreg:$0x2];
	s2 =	simm.s32 $0x0;
	s3 =	sshrl.u32 s10, $0x3  }
0x6: {  	s11 =	ssub.s32 $0x2, s6;
	[smem:$0x7FF] =	sst s2;
	s3 =	sadd.s32 s3, s5  }
0x7: {  	_ =	strace $0x80000047;
	s4 =	sadd.s32 $0x9000, s3;
	s3 =	simm.s32 $0x2  }
0x8: {  	[tilespmem:s2], [sflag:$0x2] =	stream.linear.gather [hbm4b:s4+s2], $0x40, $0x38;
	[tilespmem:$0xC080] =	vst v63  }
0x9: {  	s8 =	simm.s32 $0x1;
	s12 =	sshrl.u32 s11, $0x1;
	_ =	swait.ge [sflag:s3], $0x40  }
0xa: {  	s6 =	simm.s32 $0x40;
	s11 =	ssub.s32 s11, s12;
	[sflag:s3] =	ssyncset.done $0x0  }
0xb: {  	s5 =	sadd.s32 $0x3000, s5;
	s31 =	smax.u32 s11, $0x1;
	[sflag:s3] =	ssyncadd.s32 $0xFFFFFFC0  }
0xc: {  	[tilespmem:s7], [sflag:$0x1] =	stream.indirect.gather [hbm4b:s5+s6], $0x300, s2, s6, $0xb8;
	[tilespmem:$0xC080] =	vst v63  }
0xd: {  	s10 =	smul.u32 $0x60, s10;
	p0 =	sne.s32 s31, $0x1;
	_ =	swait.ge [sflag:s8], $0xC000  }
.Ltmp0:
0xe: {  	[sflag:s8] =	ssyncset.done $0x0;
	(pc) =	sbr.rel @!p0 .LBB2_2-.Ltmp0, $4  }
0xf: {  	s9 =	sadd.s32 s9, s10;
	[sflag:s8] =	ssyncadd.s32 $0xFFFF4000  }
0x10: {  	[hbm4b:s9+s2] =	stream.linear.scatter [tilespmem:s7], [sflag:$0x2], $0xC000, $0x38;
	[tilespmem:$0xC080] =	vst v63  }
0x11: {  	_ =	swait.ge [sflag:s3], $0xC000  }
0x12: {  	s10 =	sadd.s32 $0xFFFFFFFF, s31;
	[sflag:s3] =	ssyncset.done $0x0  }
.LBB2_1:
0x13: {  	p0 =	sne.s32 s10, $0x1;
	s10 =	sadd.s32 $0xFFFFFFFF, s10;
	[sflag:s3] =	ssyncadd.s32 $0xFFFF4000  }
0x14: {  	[tilespmem:s2], [sflag:$0x2] =	stream.linear.gather [hbm4b:s4+s2], $0x40, $0x38;
	[tilespmem:$0xC080] =	vst v63  }
0x15: {  	_ =	swait.ge [sflag:s3], $0x40  }
0x16: {  	[sflag:s3] =	ssyncset.done $0x0  }
0x17: {  	[sflag:s3] =	ssyncadd.s32 $0xFFFFFFC0  }
0x18: {  	[tilespmem:s7], [sflag:$0x1] =	stream.indirect.gather [hbm4b:s5+s6], $0x300, s2, s6, $0xb8;
	[tilespmem:$0xC080] =	vst v63  }
0x19: {  	_ =	swait.ge [sflag:s8], $0xC000  }
.Ltmp1:
0x1a: {  	[sflag:s8] =	ssyncset.done $0x0;
	(pc) =	sbr.rel @p0 .LBB2_1-.Ltmp1, $4  }
0x1b: {  	[sflag:s8] =	ssyncadd.s32 $0xFFFF4000  }
0x1c: {  	[hbm4b:s9+s2] =	stream.linear.scatter [tilespmem:s7], [sflag:$0x2], $0xC000, $0x38;
	[tilespmem:$0xC080] =	vst v63  }
0x1d: {  	_ =	swait.ge [sflag:s3], $0xC000  }
0x1e: {  	[sflag:s3] =	ssyncset.done $0x0  }
.LBB2_2:
0x1f: {  	[sflag:s3] =	ssyncadd.s32 $0xFFFF4000  }
0x20: {  	_ =	sfence.sel $0x180000  }
0x21: {  	[bflag:$0x0] =	sbarrier.arrive $0xFFFF  }
0x22: {  	p0 =	sne.s32 s0, $0x0;
	_ =	strace $0x90000047  }
0x23: {  	s0 =	sadd.s32 @!p0 $0x100000, s1;
	[bflag:$0x2] =	sbarrier.arrive $0xFFFF  }
0x24: {  	[sflag:s0] =	ssyncadd.tile.s32 @!p0 $0x1;
	_ =	shalt  }
.Lfunc_end2:
_tile_overlayer_lowered:
.L_overlay_start_2:
0x25: {  	(tag) =	ssettag $0x2  }
0x26: {  	s0 =	rddreg [dreg:$0x0];
	s2 =	stileid.u32  }
0x27: {  	s1 =	rddreg [dreg:$0x1];
	p0 =	sne.s32 s2, $0x0  }
0x28: {  	s3 =	rddreg [dreg:$0x2];
	[bflag:$0x3] =	sbarrier.arrive $0xFFFF;
	s2 =	simm.s32 @!p0 $0x1C02  }
0x29: {  	[timem:s3], [sflag:s2] =	dma.local @!p0 [hbm:s0], s1  }
0x2a: {  	s0 =	simm.s32 @!p0 $0x2  }
0x2b: {  	_ =	swait.ge @!p0 [sflag:s0], s1  }
0x2c: {  	s1 =	ssub.s32 @!p0 $0x0, s1;
	[sflag:s0] =	ssyncset.done @!p0 $0x0  }
0x2d: {  	[sflag:s0] =	ssyncadd.s32 @!p0 s1  }
0x2e: {  	[bflag:$0x3] =	sbarrier.arrive $0xFFFF  }
0x2f: {  	_ =	shalt  }

// kernel: kernel.9.cloned.1.call-start
scs
__scs_entry_jumppad:
0x0: {  	(pc) =	sbr.rel $0x88, $3  }
0x1: {  	(tag) =	ssettag $0x0;
	lr =	simm.s32 $0x1  }
0x2: {  	[smem:$0x3F9B] =	sst lr;
	_ =	strace $0xD0000000  }
0x3: {  	_ = 	snop  }
0x4: {  	_ = 	snop  }
0x5: {  	_ = 	snop  }
0x6: {  	_ = 	snop  }
0x7: {  	_ = 	snop  }
__scs_overlays_trampoline_lowered:
0x8: {  	[smem:$0x3FAA] =	sst s0  }
0x9: {  	[smem:$0x3FAB] =	sst s1  }
0xa: {  	[smem:$0x3FAC] =	sst s2  }
0xb: {  	[smem:$0x3FAD] =	sst s3  }
0xc: {  	[smem:$0x3FAE] =	sst s4  }
0xd: {  	[smem:$0x3FAF] =	sst s5  }
0xe: {  	[smem:$0x3FB0] =	sst s6  }
0xf: {  	[smem:$0x3FB1] =	sst s7  }
0x10: {  	[smem:$0x3FB2] =	sst s8  }
0x11: {  	[smem:$0x3FB3] =	sst s9;
	s0 =	simm.s32 @!p0 $0x0  }
0x12: {  	s1 =	sld [smem:$0x3F99];
	s0 =	simm.s32 @p0 $0x1  }
0x13: {  	[smem:$0x3FB4] =	sst s0;
	s0 =	simm.s32 @!p1 $0x0  }
0x14: {  	s2 =	sld [smem:$0x3F98];
	s0 =	simm.s32 @p1 $0x1  }
0x15: {  	[smem:$0x3FB5] =	sst s0;
	s0 =	simm.s32 @!p2 $0x0  }
0x16: {  	s3 =	sld [smem:$0x3FDB];
	s0 =	simm.s32 @p2 $0x1  }
0x17: {  	s4 =	simm.s32 $0x1BF5;
	[smem:$0x3FB7] =	sst s0  }
0x18: {  	s0 =	sld [smem:$0x3F9A];
	_ =	swait.ge [sflag:s4], $0x0  }
0x19: {  	s7 =	sld [smem:$0x3F9B]  }
0x1a: {  	s8 =	sadd.s32 $0xFFFFE003, lr  }
0x1b: {  	s9 =	sadd.s32 $0xFFFFFEF7, lr;
	s5 =	simm.s32 $0xFFFFFFFF;
	p2 =	slt.u32 s8, $0xFFFFF086  }
0x1c: {  	p1 =	slt.u32 s9, $0xF7A;
	s5 =	simm.s32 @!p2 $0x0  }
0x1d: {  	s5 =	simm.s32 @p1 $0x1;
	p0 =	seq.s32 s7, s2  }
0x1e: {  	s7 =	smul.u32 @!p0 $0xF7A, s2;
	p2 =	seq.s32 @!p0 s5, $0x0  }
0x1f: {  	s9 =	smul.u32 $0xF7A, s1;
	s8 =	simm.s32 @!p0 $0x1BF5;
	p2 =	por !p2, p0  }
0x20: {  	[sflag:s8] =	ssyncset.s32 @!p0 $0xFFFFF086;
	s6 =	sadd.s32 @!p0 s3, s7;
	s7 =	simm.s32 @!p0 $0x108  }
0x21: {  	s3 =	sadd.s32 s3, s9;
	s6 =	sadd.s32 @!p0 $0x88, s6;
	s7 =	simm.s32 @p2 $0x1082  }
0x22: {  	[simem:s7], [sflag:s8] =	dma.local @!p0 [hbm:s6], $0xF7A  }
0x23: {  	s9 =	sor.u32 $0xD0000000, s2;
	s6 =	simm.s32 $0x108;
	_ =	swait.ge @!p0 [sflag:s8], $0x0  }
0x24: {  	s3 =	sadd.s32 $0x88, s3;
	s6 =	simm.s32 @!p1 $0x1082;
	[sflag:s4] =	ssyncset.s32 $0xFFFFF086  }
0x25: {  	[simem:s6], [sflag:s4] =	dma.local [hbm:s3], $0xF7A  }
0x26: {  	[smem:$0x3F9B] =	sst s1;
	(tag) =	ssettag s2;
	_ =	strace s9  }
0x27: {  	s1 =	sld [smem:$0x3FAB]  }
0x28: {  	s2 =	sld [smem:$0x3FAC]  }
0x29: {  	s4 =	sld [smem:$0x3FAE]  }
0x2a: {  	p0 =	seq.s32 s5, $0x0;
	s5 =	sld [smem:$0x3FAF]  }
0x2b: {  	s6 =	sld [smem:$0x3FB0]  }
0x2c: {  	s7 =	sld [smem:$0x3FB1]  }
0x2d: {  	s3 =	simm.s32 $0x108;
	s8 =	sld [smem:$0x3FB2]  }
0x2e: {  	s3 =	simm.s32 @!p0 $0x1082;
	s9 =	sld [smem:$0x3FB3]  }
0x2f: {  	lr =	sadd.s32 s0, s3;
	s0 =	sld [smem:$0x3FAA]  }
0x30: {  	s3 =	sld [smem:$0x3FAD]  }
0x31: {  	[smem:$0x3FB6] =	sst s10  }
0x32: {  	s10 =	sld [smem:$0x3FB4];
	_ =	sdelay $0x3  }
0x33: {  	p0 =	seq.s32 s10, $0x1;
	s10 =	sld [smem:$0x3FB6];
	_ =	sdelay $0x3  }
0x34: {  	[smem:$0x3FB6] =	sst s10  }
0x35: {  	s10 =	sld [smem:$0x3FB5];
	_ =	sdelay $0x3  }
0x36: {  	p1 =	seq.s32 s10, $0x1;
	s10 =	sld [smem:$0x3FB6];
	_ =	sdelay $0x3  }
0x37: {  	[smem:$0x3FB6] =	sst s10  }
0x38: {  	s10 =	sld [smem:$0x3FB7]  }
0x39: {  	_ = 	snop;
	(pc) =	sbr.ind lr, $3  }
0x3a: {  	_ = 	snop  }
0x3b: {  	_ = 	snop  }
0x3c: {  	p2 =	seq.s32 s10, $0x1;
	s10 =	sld [smem:$0x3FB6]  }
0x3d: {  	_ =	shalt  }
0x3e: {  	_ =	shalt  }
0x3f: {  	_ =	shalt  }
0x40: {  	_ =	shalt  }
0x41: {  	_ =	shalt  }
0x42: {  	_ =	shalt  }
0x43: {  	_ =	shalt  }
0x44: {  	_ =	shalt  }
0x45: {  	_ =	shalt  }
0x46: {  	_ =	shalt  }
0x47: {  	_ =	shalt  }
0x48: {  	_ =	shalt  }
0x49: {  	_ =	shalt  }
0x4a: {  	_ =	shalt  }
0x4b: {  	_ =	shalt  }
0x4c: {  	_ =	shalt  }
0x4d: {  	_ =	shalt  }
0x4e: {  	_ =	shalt  }
0x4f: {  	_ =	shalt  }
0x50: {  	_ =	shalt  }
0x51: {  	_ =	shalt  }
0x52: {  	_ =	shalt  }
0x53: {  	_ =	shalt  }
0x54: {  	_ =	shalt  }
0x55: {  	_ =	shalt  }
0x56: {  	_ =	shalt  }
0x57: {  	_ =	shalt  }
0x58: {  	_ =	shalt  }
0x59: {  	_ =	shalt  }
0x5a: {  	_ =	shalt  }
0x5b: {  	_ =	shalt  }
0x5c: {  	_ =	shalt  }
0x5d: {  	_ =	shalt  }
0x5e: {  	_ =	shalt  }
0x5f: {  	_ =	shalt  }
0x60: {  	_ =	shalt  }
0x61: {  	_ =	shalt  }
0x62: {  	_ =	shalt  }
0x63: {  	_ =	shalt  }
0x64: {  	_ =	shalt  }
0x65: {  	_ =	shalt  }
0x66: {  	_ =	shalt  }
0x67: {  	_ =	shalt  }
0x68: {  	_ =	shalt  }
0x69: {  	_ =	shalt  }
0x6a: {  	_ =	shalt  }
0x6b: {  	_ =	shalt  }
0x6c: {  	_ =	shalt  }
0x6d: {  	_ =	shalt  }
0x6e: {  	_ =	shalt  }
0x6f: {  	_ =	shalt  }
0x70: {  	_ =	shalt  }
0x71: {  	_ =	shalt  }
0x72: {  	_ =	shalt  }
0x73: {  	_ =	shalt  }
0x74: {  	_ =	shalt  }
0x75: {  	_ =	shalt  }
0x76: {  	_ =	shalt  }
0x77: {  	_ =	shalt  }
0x78: {  	_ =	shalt  }
0x79: {  	_ =	shalt  }
0x7a: {  	_ =	shalt  }
0x7b: {  	_ =	shalt  }
0x7c: {  	_ =	shalt  }
0x7d: {  	_ =	shalt  }
0x7e: {  	_ =	shalt  }
0x7f: {  	_ =	shalt  }
0x80: {  	_ =	shalt  }
0x81: {  	_ =	shalt  }
0x82: {  	_ =	shalt  }
0x83: {  	_ =	shalt  }
0x84: {  	_ =	shalt  }
0x85: {  	_ =	shalt  }
0x86: {  	_ =	shalt  }
0x87: {  	_ =	shalt  }
.Lfunc_end0:
.L_simem_size_0:
called_computation.1_lowered:
.L_overlay_start_0:
0x88: {  	s2 =	sld [smem:$0x3FD9]  }
0x89: {  	s3 =	sld [smem:$0x3FFE];
	_ =	sdelay $0x1  }
0x8a: {  	s1 =	srdreg.scid  }
0x8b: {  	s0 =	sand.u32 $0x1, s1  }
0x8c: {  	s17 =	sshll.u32 s0, $0xA;
	s2 =	sadd.s32 s3, s2  }
0x8d: {  	s2 =	sadd.s32 s2, s17  }
0x8e: {  	[smem:$0x3FC2] =	sst s2  }
0x8f: {  	_ = 	snop  }
0x90: {  	s2 =	sld [smem:$0x3FD0];
	(tm) =	ssettm $0x1  }
0x91: {  	s18 =	sld [smem:$0x3FFB];
	_ =	sdelay $0x3  }
0x92: {  	_ =	strace s18  }
0x93: {  	s3 =	sld [smem:$0x3FFC];
	_ =	sdelay $0x3  }
0x94: {  	_ =	strace s3  }
0x95: {  	s3 =	sld [smem:$0x3FFD];
	_ =	sdelay $0x3  }
0x96: {  	_ =	strace s3  }
0x97: {  	_ =	strace $0x8FFFFFFF  }
0x98: {  	s19 =	sld [smem:$0x3FDB];
	_ =	sdelay $0x1  }
0x99: {  	s4 =	simm.s32 $_scs_section_size  }
0x9a: {  	s5 =	simm.s32 $_size__tile_overlayer_lowered;
	s6 =	simm.s32 $_tile_overlayer_lowered  }
0x9b: {  	s22 =	simm.s32 $0x1BFF;
	s21 =	sshll.u32 s6, $0x1;
	s3 =	sadd.s32 s4, s19  }
0x9c: {  	s7 =	simm.s32 $0x0;
	s20 =	sshll.u32 s5, $0x1;
	s5 =	sadd.s32 s21, s3  }
0x9d: {  	[timem:s7], [sflag:s22] =	dma.local [hbm:s5], s20  }
0x9e: {  	_ =	swait.ge [sflag:s22], s20  }
0x9f: {  	s4 =	ssub.s32 $0x0, s20;
	[sflag:s22] =	ssyncset.done $0x0  }
0xa0: {  	[sflag:s22] =	ssyncadd.s32 s4;
	_ =	sdelay $0x1  }
0xa1: {  	s23 =	simm.s32 $0x1B8B  }
0xa2: {  	_ =	swait.ge [sflag:s23], $0x1  }
0xa3: {  	[sflag:s23] =	ssyncset.done $0x0  }
0xa4: {  	s25 =	simm.s32 $0x1B8E;
	s24 =	sld [smem:$0x3FFE];
	[sflag:s23] =	ssyncadd.s32 $0xFFFFFFFF  }
0xa5: {  	s26 =	simm.s32 $execute0_lowered;
	[smem:$0x3FD2] =	sst s25  }
0xa6: {  	s5 =	sshll.u32 s26, $0x1;
	_ =	strace $0x80000049;
	[dreg:$0x1] =	wrdreg $0xFFFFFFFF  }
0xa7: {  	s28 =	simm.s32 $_size_execute0_lowered;
	s3 =	sadd.s32 s3, s5;
	[dreg:$0x0] =	wrdreg $0x0  }
0xa8: {  	s5 =	sshll.u32 s28, $0x1;
	[dreg:$0x2] =	wrdreg s3  }
0xa9: {  	[dreg:$0x3] =	wrdreg s5  }
0xaa: {  	[dreg:$0x4] =	wrdreg $0xC0  }
0xab: {  	_ =	task [dreg:s7], $0x5FFFF  }
0xac: {  	[dreg:$0x1] =	wrdreg $0xFFFFFFFF  }
0xad: {  	[dreg:$0x0] =	wrdreg $0x60  }
0xae: {  	[dreg:$0x2] =	wrdreg s24  }
0xaf: {  	[dreg:$0x3] =	wrdreg s2  }
0xb0: {  	[dreg:$0x4] =	wrdreg $0x9  }
0xb1: {  	_ =	task.clear_ibuf [dreg:s7], $0x5FFFF;
	_ =	strace $0x90000049  }
0xb2: {  	s29 =	simm.s32 $0x9;
	_ =	strace $0x8000004B  }
0xb3: {  	_ =	swait.ge [sflag:s29], $0x1  }
0xb4: {  	[sflag:s29] =	ssyncadd.s32 $0xFFFFFFFF  }
0xb5: {  	_ =	strace $0x9000004B  }
0xb6: {  	_ =	sfence  }
0xb7: {  	s30 =	sld [smem:$0x0];
	_ =	sdelay $0x2  }
0xb8: {  	s31 =	sshll.u32 s1, $0xD;
	s1 =	sshrl.u32 s1, $0x2  }
0xb9: {  	s3 =	sand.u32 $0x4000, s31;
	s1 =	sadd.s32 s1, s30  }
0xba: {  	s0 =	sor.u32 s3, s0;
	s1 =	sshll.u32 s1, $0x11  }
0xbb: {  	s0 =	sor.u32 s1, s0  }
0xbc: {  	s0 =	sadd.s32 $0x8F2B, s0  }
0xbd: {  	[sflag:s0] =	ssyncadd.remote.s32 $0x1  }
0xbe: {  	_ =	sfence.sel $0xFFFF  }
0xbf: {  	[dreg:$0x0] =	wrdreg $0xFFFFFFFF;
	(pc) =	sbr.abs _section_cstart, $3  }
0xc0: {  	[dreg:$0x1] =	wrdreg $0xFFFFFFFF  }
0xc1: {  	_ =	task.clear_ibuf [dreg:s7], $0x2FFFF;
	_ =	strace $0x9FFFFFFF  }
0xc2: {  	(tm) =	ssettm $0x7FFFFFFF  }
0xc3: {  	_ =	shalt  }
tec
execute0_lowered:
.L_overlay_start_1:
0x0: {  	(tag) =	ssettag $0x1  }
0x1: {  	s1 =	srdreg.scid;
	s0 =	stileid.u32  }
0x2: {  	s5 =	rddreg [dreg:$0x0];
	s6 =	sand.u32 $0x1, s1;
	s31 =	sshll.u32 s0, $0x1  }
0x3: {  	s9 =	rddreg [dreg:$0x1];
	s7 =	sor.u32 s6, s31  }
0x4: {  	s2 =	simm.s32 $0x0;
	s1 =	rddreg [dreg:$0x2];
	s3 =	smul.u32 $0xA, s7  }
0x5: {  	s8 =	simm.s32 $0x1;
	[smem:$0x7FF] =	sst s2  }
0x6: {  	_ =	strace $0x8000004A;
	s10 =	ssub.s32 $0x2, s6;
	s3 =	sadd.s32 s3, s5  }
0x7: {  	s6 =	simm.s32 $0x50;
	s4 =	sadd.s32 $0x9200, s3;
	s3 =	simm.s32 $0x2  }
0x8: {  	[tilespmem:s2], [sflag:$0x2] =	stream.linear.gather [hbm4b:s4+s2], $0x50, $0x38;
	[tilespmem:$0xF080] =	vst v63  }
0x9: {  	s11 =	smul.u32 $0xF000, s7;
	s12 =	sshrl.u32 s10, $0x1;
	_ =	swait.ge [sflag:s3], $0x50  }
0xa: {  	s7 =	simm.s32 $0x80;
	s10 =	ssub.s32 s10, s12;
	[sflag:s3] =	ssyncset.done $0x0  }
0xb: {  	s5 =	sadd.s32 $0x3000, s5;
	s10 =	smax.u32 s10, $0x1;
	[sflag:s3] =	ssyncadd.s32 $0xFFFFFFB0  }
0xc: {  	[tilespmem:s7], [sflag:$0x1] =	stream.indirect.gather [hbm4b:s5+s6], $0x300, s2, s6, $0xb8;
	[tilespmem:$0xF080] =	vst v63  }
0xd: {  	s11 =	sshrl.u32 s11, $0x3;
	p0 =	sne.s32 s10, $0x1;
	_ =	swait.ge [sflag:s8], $0xF000  }
.Ltmp0:
0xe: {  	s9 =	sadd.s32 s9, s11;
	[sflag:s8] =	ssyncset.done $0x0;
	(pc) =	sbr.rel @!p0 .LBB2_2-.Ltmp0, $4  }
0xf: {  	s9 =	sadd.s32 $0x30000, s9;
	[sflag:s8] =	ssyncadd.s32 $0xFFFF1000  }
0x10: {  	[hbm4b:s9+s2] =	stream.linear.scatter [tilespmem:s7], [sflag:$0x2], $0xF000, $0x38;
	[tilespmem:$0xF080] =	vst v63  }
0x11: {  	_ =	swait.ge [sflag:s3], $0xF000  }
0x12: {  	s10 =	sadd.s32 $0xFFFFFFFF, s10;
	[sflag:s3] =	ssyncset.done $0x0  }
.LBB2_1:
0x13: {  	p0 =	sne.s32 s10, $0x1;
	s10 =	sadd.s32 $0xFFFFFFFF, s10;
	[sflag:s3] =	ssyncadd.s32 $0xFFFF1000  }
0x14: {  	[tilespmem:s2], [sflag:$0x2] =	stream.linear.gather [hbm4b:s4+s2], $0x50, $0x38;
	[tilespmem:$0xF080] =	vst v63  }
0x15: {  	_ =	swait.ge [sflag:s3], $0x50  }
0x16: {  	[sflag:s3] =	ssyncset.done $0x0  }
0x17: {  	[sflag:s3] =	ssyncadd.s32 $0xFFFFFFB0  }
0x18: {  	[tilespmem:s7], [sflag:$0x1] =	stream.indirect.gather [hbm4b:s5+s6], $0x300, s2, s6, $0xb8;
	[tilespmem:$0xF080] =	vst v63  }
0x19: {  	_ =	swait.ge [sflag:s8], $0xF000  }
.Ltmp1:
0x1a: {  	[sflag:s8] =	ssyncset.done $0x0;
	(pc) =	sbr.rel @p0 .LBB2_1-.Ltmp1, $4  }
0x1b: {  	[sflag:s8] =	ssyncadd.s32 $0xFFFF1000  }
0x1c: {  	[hbm4b:s9+s2] =	stream.linear.scatter [tilespmem:s7], [sflag:$0x2], $0xF000, $0x38;
	[tilespmem:$0xF080] =	vst v63  }
0x1d: {  	_ =	swait.ge [sflag:s3], $0xF000  }
0x1e: {  	[sflag:s3] =	ssyncset.done $0x0  }
.LBB2_2:
0x1f: {  	[sflag:s3] =	ssyncadd.s32 $0xFFFF1000  }
0x20: {  	_ =	sfence.sel $0x180000  }
0x21: {  	[bflag:$0x0] =	sbarrier.arrive $0xFFFF  }
0x22: {  	p0 =	sne.s32 s0, $0x0;
	_ =	strace $0x9000004A  }
0x23: {  	s0 =	sadd.s32 @!p0 $0x100000, s1;
	[bflag:$0x2] =	sbarrier.arrive $0xFFFF  }
0x24: {  	[sflag:s0] =	ssyncadd.tile.s32 @!p0 $0x1;
	_ =	shalt  }
.Lfunc_end2:
_tile_overlayer_lowered:
.L_overlay_start_2:
0x25: {  	(tag) =	ssettag $0x2  }
0x26: {  	s0 =	rddreg [dreg:$0x0];
	s2 =	stileid.u32  }
0x27: {  	s1 =	rddreg [dreg:$0x1];
	p0 =	sne.s32 s2, $0x0  }
0x28: {  	s3 =	rddreg [dreg:$0x2];
	[bflag:$0x3] =	sbarrier.arrive $0xFFFF;
	s2 =	simm.s32 @!p0 $0x1C02  }
0x29: {  	[timem:s3], [sflag:s2] =	dma.local @!p0 [hbm:s0], s1  }
0x2a: {  	s0 =	simm.s32 @!p0 $0x2  }
0x2b: {  	_ =	swait.ge @!p0 [sflag:s0], s1  }
0x2c: {  	s1 =	ssub.s32 @!p0 $0x0, s1;
	[sflag:s0] =	ssyncset.done @!p0 $0x0  }
0x2d: {  	[sflag:s0] =	ssyncadd.s32 @!p0 s1  }
0x2e: {  	[bflag:$0x3] =	sbarrier.arrive $0xFFFF  }
0x2f: {  	_ =	shalt  }

</sc_bundles>
